<compile_context>
chip_gen: v7x
topology: tpu7x:2x2x1
jax: 0.10.2.dev20260603
libtpu: 0.0.44.dev20260713+nightly
codegen_flags: <defaults>
</compile_context>

<pallas_src>
import functools

import jax
import jax.numpy as jnp
from jax import lax
from jax.experimental import pallas as pl
from jax.experimental.pallas import tpu as pltpu
from jax.experimental.pallas import tpu_sc as plsc


def _sc_permute(z, perm, *, B, C, H, W, NC, NS):
    CHALF = C // 2

    mesh = plsc.VectorSubcoreMesh(core_axis_name="c", subcore_axis_name="s")

    @functools.partial(
        pl.kernel,
        mesh=mesh,
        out_type=jax.ShapeDtypeStruct((B, C, H, W), jnp.float32),
        compiler_params=pltpu.CompilerParams(
            use_tc_tiling_on_sc=True, needs_layout_passes=False
        ),
        scratch_types=[
            pltpu.VMEM((C,), jnp.int32),
            pltpu.VMEM((2, 1, 1, H, W), jnp.float32),
            pltpu.SemaphoreType.DMA,
            pltpu.SemaphoreType.DMA,
            pltpu.SemaphoreType.DMA,
            pltpu.SemaphoreType.DMA,
        ],
    )
    def sc_copy(z_hbm, perm_hbm, out_hbm, perm_v, buf_v, g0, g1, s0, s1):
        gsem = (g0, g1)
        ssem = (s0, s1)
        wid = lax.axis_index("s") * NC + lax.axis_index("c")
        pltpu.sync_copy(perm_hbm, perm_v)
        b = wid // 2
        c0 = (wid % 2) * CHALF

        def perm_at(c):
            vec = perm_v[pl.ds((c // 16) * 16, 16)]
            lane = lax.iota(jnp.int32, 16)
            return jnp.sum(jnp.where(lane == c % 16, vec, 0))

        def scatter_start(c, bb):
            pltpu.make_async_copy(
                buf_v.at[bb], out_hbm.at[pl.ds(b, 1), pl.ds(c, 1)], ssem[bb]
            ).start()

        def scatter_wait(bb):
            pltpu.make_async_copy(
                buf_v.at[bb], out_hbm.at[pl.ds(0, 1), pl.ds(0, 1)], ssem[bb]
            ).wait()

        def body(p, _):
            for bb in range(2):
                i = 2 * p + bb
                c = c0 + i

                @pl.when(p > 0)
                def _():
                    scatter_wait(bb)

                pc = perm_at(c)
                pltpu.async_copy(
                    z_hbm.at[pl.ds(b, 1), pl.ds(pc, 1)], buf_v.at[bb], gsem[bb]
                ).wait()
                scatter_start(c, bb)
            return 0

        lax.fori_loop(0, CHALF // 2, body, 0)
        scatter_wait(0)
        scatter_wait(1)

    return sc_copy(z, perm)


def kernel(z, perm):
    B, C, H, W = z.shape
    info = plsc.get_sparse_core_info()
    out = _sc_permute(
        z,
        perm.astype(jnp.int32),
        B=B,
        C=C,
        H=H,
        W=W,
        NC=info.num_cores,
        NS=info.num_subcores,
    )
    return out, jnp.zeros((), z.dtype)

# --- scband reference (transcript-rebuilt; emitter-appended) ---
"""Pipeline reference for scband-permute-63745904607837 (READ-ONLY COPY).

The authoritative reference and input builder live on the scoring server;
editing this copy changes nothing except your own understanding.
"""

import jax, jax.numpy as jnp
import numpy as np

NUM_CHANNELS = 96

def setup_inputs(seed: int = 0) -> dict:
    key = jax.random.key(seed)
    kz, kp = jax.random.split(key)
    z = jax.random.normal(kz, (16, NUM_CHANNELS, 224, 224), dtype=jnp.float32)
    perm = jax.random.permutation(kp, jnp.arange(NUM_CHANNELS, dtype=jnp.int32))
    return {"z": z, "perm": perm}

def reference(z, perm):
    # shuffle mode: gather channels along dim 1 using fixed permutation buffer
    out = jnp.take(z, perm, axis=1)
    log_det = jnp.zeros((), dtype=z.dtype)
    return (out, log_det)

if __name__ == "__main__":
    import jax
    _d = setup_inputs()
    print(jax.jit(kernel)(*tuple(_d.values())))

</pallas_src>

<mosaic_0001>
#map = affine_map<(d0, d1) -> (0, 0, 0, 0)>
#map1 = affine_map<(d0, d1) -> (0)>
module attributes {stable_mosaic.version = 14 : i64} {
  func.func @sc_copy(%arg0: i32, %arg1: i32, %arg2: memref<16x96x224x224xf32, #tpu.memory_space<hbm>>, %arg3: memref<96xi32, #tpu.memory_space<hbm>>, %arg4: memref<16x96x224x224xf32, #tpu.memory_space<hbm>>, %arg5: memref<96xi32, #tpu.memory_space<vmem>>, %arg6: memref<2x1x1x224x224xf32, #tpu.memory_space<vmem>>, %arg7: memref<!tpu.dma_semaphore, #tpu.memory_space<semaphore_mem>>, %arg8: memref<!tpu.dma_semaphore, #tpu.memory_space<semaphore_mem>>, %arg9: memref<!tpu.dma_semaphore, #tpu.memory_space<semaphore_mem>>, %arg10: memref<!tpu.dma_semaphore, #tpu.memory_space<semaphore_mem>>) attributes {dimension_semantics = [#tpu.dimension_semantics<core_parallel>, #tpu.dimension_semantics<subcore_parallel>], iteration_bounds = array<i64: 2, 16>, scalar_prefetch = 0 : i64, scratch_operands = 6 : i64, tpu.core_type = #tpu.core_type<sc_vector_subcore>, window_params = [{transform_indices = #map}, {transform_indices = #map1}, {transform_indices = #map}]} {
    %mul3A = arith.constant 2 : i32
    %mul3A_0 = arith.muli %arg1, %mul3A : i32
    %add3A = arith.addi %mul3A_0, %arg0 : i32
    "tpu.region"() ({
      %run_scoped3A = tpu.sem_alloc : memref<!tpu.dma_semaphore, #tpu.memory_space<semaphore_mem>>
      tpu.enqueue_dma source(%arg3 : memref<96xi32, #tpu.memory_space<hbm>>) target(%arg5 : memref<96xi32, #tpu.memory_space<vmem>>) target_semaphore(%run_scoped3A : memref<!tpu.dma_semaphore, #tpu.memory_space<semaphore_mem>>)
      tpu.wait_dma2 semaphore(%run_scoped3A : memref<!tpu.dma_semaphore, #tpu.memory_space<semaphore_mem>>) src(%arg3 : memref<96xi32, #tpu.memory_space<hbm>>) dst(%arg5 : memref<96xi32, #tpu.memory_space<vmem>>)
      tpu.yield
    }) : () -> ()
    %jit3A = arith.constant 2 : i32
    %div3A = arith.divsi %add3A, %jit3A : i32
    %sign3A = arith.constant 0 : i32
    %sign3A_1 = arith.cmpi sgt, %add3A, %sign3A : i32
    %sign3A_2 = arith.extui %sign3A_1 : i1 to i32
    %sign3A_3 = arith.constant 0 : i32
    %sign3A_4 = arith.cmpi slt, %add3A, %sign3A_3 : i32
    %sign3A_5 = arith.extui %sign3A_4 : i1 to i32
    %sign3A_6 = arith.subi %sign3A_2, %sign3A_5 : i32
    %sign3A_7 = arith.constant 0 : i32
    %sign3A_8 = arith.cmpi sgt, %jit3A, %sign3A_7 : i32
    %sign3A_9 = arith.extui %sign3A_8 : i1 to i32
    %sign3A_10 = arith.constant 0 : i32
    %sign3A_11 = arith.cmpi slt, %jit3A, %sign3A_10 : i32
    %sign3A_12 = arith.extui %sign3A_11 : i1 to i32
    %sign3A_13 = arith.subi %sign3A_9, %sign3A_12 : i32
    %ne3A = arith.cmpi ne, %sign3A_6, %sign3A_13 : i32
    %rem3A = arith.remsi %add3A, %jit3A : i32
    %ne3A_14 = arith.constant 0 : i32
    %ne3A_15 = arith.cmpi ne, %rem3A, %ne3A_14 : i32
    %and3A = arith.andi %ne3A, %ne3A_15 : i1
    %sub3A = arith.constant 1 : i32
    %sub3A_16 = arith.subi %div3A, %sub3A : i32
    %select_n3A = arith.select %and3A, %sub3A_16, %div3A : i32
    %jit3A_17 = arith.constant 2 : i32
    %eq3A = arith.constant 0 : i32
    %eq3A_18 = arith.cmpi eq, %jit3A_17, %eq3A : i32
    %jit3A_19 = arith.constant 1 : i32
    %select_n3A_20 = arith.select %eq3A_18, %jit3A_19, %jit3A_17 : i32
    %rem3A_21 = arith.remsi %add3A, %select_n3A_20 : i32
    %ne3A_22 = arith.constant 0 : i32
    %ne3A_23 = arith.cmpi ne, %rem3A_21, %ne3A_22 : i32
    %lt3A = arith.constant 0 : i32
    %lt3A_24 = arith.cmpi slt, %rem3A_21, %lt3A : i32
    %lt3A_25 = arith.constant 0 : i32
    %lt3A_26 = arith.cmpi slt, %select_n3A_20, %lt3A_25 : i32
    %ne3A_27 = arith.xori %lt3A_24, %lt3A_26 : i1
    %and3A_28 = arith.andi %ne3A_27, %ne3A_23 : i1
    %add3A_29 = arith.addi %rem3A_21, %select_n3A_20 : i32
    %select_n3A_30 = arith.select %and3A_28, %add3A_29, %rem3A_21 : i32
    %mul3A_31 = arith.constant 48 : i32
    %mul3A_32 = arith.muli %select_n3A_30, %mul3A_31 : i32
    %scan3A = arith.constant 0 : i32
    %scan3A_33 = arith.constant 0 : i32
    %scan3A_34 = arith.constant 24 : i32
    %scan3A_35 = arith.addi %scan3A_33, %scan3A_34 : i32
    %scan3A_36 = arith.constant 1 : i32
    %scan3A_37 = scf.for %scan3A_84 = %scan3A_33 to %scan3A_35 step %scan3A_36 iter_args(%scan3A_85 = %scan3A) -> (i32)  : i32 {
      %mul3A_86 = arith.constant 2 : i32
      %mul3A_87 = arith.muli %mul3A_86, %scan3A_84 : i32
      %add3A_88 = arith.constant 0 : i32
      %add3A_89 = arith.addi %mul3A_87, %add3A_88 : i32
      %add3A_90 = arith.addi %mul3A_32, %add3A_89 : i32
      %gt3A = arith.constant 0 : i32
      %gt3A_91 = arith.cmpi sgt, %scan3A_84, %gt3A : i32
      %convert_element_type3A = arith.extui %gt3A_91 : i1 to i32
      %cond3A = arith.constant 0 : i32
      %cond3A_92 = arith.cmpi ne, %convert_element_type3A, %cond3A : i32
      scf.if %cond3A_92 {
        %dma_wait3A_321 = arith.constant 0 : i32
        %dma_wait3A_322 = arith.constant 0 : i32
        %dma_wait3A_323 = arith.constant 0 : i32
        %dma_wait3A_324 = arith.constant 0 : i32
        %dma_wait3A_325 = arith.constant 0 : i32
        %dma_wait3A_326 = tpu.memref_slice %arg6[%dma_wait3A_321, %dma_wait3A_322, %dma_wait3A_323, %dma_wait3A_324, %dma_wait3A_325] : memref<2x1x1x224x224xf32, #tpu.memory_space<vmem>> -> memref<1x1x1x224x224xf32, #tpu.memory_space<vmem>>
        %dma_wait3A_327 = tpu.memref_squeeze %dma_wait3A_326 : memref<1x1x1x224x224xf32, #tpu.memory_space<vmem>> -> memref<1x1x224x224xf32, #tpu.memory_space<vmem>>
        %dma_wait3A_328 = arith.constant 0 : i32
        %dma_wait3A_329 = arith.constant 0 : i32
        %dma_wait3A_330 = arith.constant 0 : i32
        %dma_wait3A_331 = arith.constant 0 : i32
        %dma_wait3A_332 = tpu.memref_slice %arg4[%dma_wait3A_328, %dma_wait3A_329, %dma_wait3A_330, %dma_wait3A_331] : memref<16x96x224x224xf32, #tpu.memory_space<hbm>> -> memref<1x1x224x224xf32, #tpu.memory_space<hbm>>
        %dma_wait3A_333 = arith.constant 0 : i32
        %dma_wait3A_334 = arith.constant 0 : i32
        %dma_wait3A_335 = arith.constant 0 : i32
        %dma_wait3A_336 = arith.constant 0 : i32
        %dma_wait3A_337 = tpu.memref_slice %arg4[%dma_wait3A_333, %dma_wait3A_334, %dma_wait3A_335, %dma_wait3A_336] : memref<16x96x224x224xf32, #tpu.memory_space<hbm>> -> memref<1x1x224x224xf32, #tpu.memory_space<hbm>>
        %dma_wait3A_338 = arith.constant 0 : i32
        %dma_wait3A_339 = arith.constant 0 : i32
        %dma_wait3A_340 = arith.constant 0 : i32
        %dma_wait3A_341 = arith.constant 0 : i32
        %dma_wait3A_342 = tpu.memref_slice %arg6[%dma_wait3A_321, %dma_wait3A_338, %dma_wait3A_339, %dma_wait3A_340, %dma_wait3A_341] : memref<2x1x1x224x224xf32, #tpu.memory_space<vmem>> -> memref<1x1x1x224x224xf32, #tpu.memory_space<vmem>>
        %dma_wait3A_343 = tpu.memref_squeeze %dma_wait3A_342 : memref<1x1x1x224x224xf32, #tpu.memory_space<vmem>> -> memref<1x1x224x224xf32, #tpu.memory_space<vmem>>
        tpu.wait_dma2 semaphore(%arg9 : memref<!tpu.dma_semaphore, #tpu.memory_space<semaphore_mem>>) src(%dma_wait3A_343 : memref<1x1x224x224xf32, #tpu.memory_space<vmem>>) dst(%dma_wait3A_337 : memref<1x1x224x224xf32, #tpu.memory_space<hbm>>)
      } else {
      }
      %jit3A_93 = arith.constant 16 : i32
      %div3A_94 = arith.divsi %add3A_90, %jit3A_93 : i32
      %sign3A_95 = arith.constant 0 : i32
      %sign3A_96 = arith.cmpi sgt, %add3A_90, %sign3A_95 : i32
      %sign3A_97 = arith.extui %sign3A_96 : i1 to i32
      %sign3A_98 = arith.constant 0 : i32
      %sign3A_99 = arith.cmpi slt, %add3A_90, %sign3A_98 : i32
      %sign3A_100 = arith.extui %sign3A_99 : i1 to i32
      %sign3A_101 = arith.subi %sign3A_97, %sign3A_100 : i32
      %sign3A_102 = arith.constant 0 : i32
      %sign3A_103 = arith.cmpi sgt, %jit3A_93, %sign3A_102 : i32
      %sign3A_104 = arith.extui %sign3A_103 : i1 to i32
      %sign3A_105 = arith.constant 0 : i32
      %sign3A_106 = arith.cmpi slt, %jit3A_93, %sign3A_105 : i32
      %sign3A_107 = arith.extui %sign3A_106 : i1 to i32
      %sign3A_108 = arith.subi %sign3A_104, %sign3A_107 : i32
      %ne3A_109 = arith.cmpi ne, %sign3A_101, %sign3A_108 : i32
      %rem3A_110 = arith.remsi %add3A_90, %jit3A_93 : i32
      %ne3A_111 = arith.constant 0 : i32
      %ne3A_112 = arith.cmpi ne, %rem3A_110, %ne3A_111 : i32
      %and3A_113 = arith.andi %ne3A_109, %ne3A_112 : i1
      %sub3A_114 = arith.constant 1 : i32
      %sub3A_115 = arith.subi %div3A_94, %sub3A_114 : i32
      %select_n3A_116 = arith.select %and3A_113, %sub3A_115, %div3A_94 : i32
      %mul3A_117 = arith.constant 16 : i32
      %mul3A_118 = arith.muli %select_n3A_116, %mul3A_117 : i32
      %get3A = arith.index_cast %mul3A_118 : i32 to index
      %get3A_119 = tpu.vector_load %arg5[%get3A] {strides = array<i32>} : memref<96xi32, #tpu.memory_space<vmem>>, vector<16xi32>,
      %iota3A = tpu.iota {dimensions = array<i32: 0>} : vector<16xi32>
      %jit3A_120 = arith.constant 16 : i32
      %eq3A_121 = arith.constant 0 : i32
      %eq3A_122 = arith.cmpi eq, %jit3A_120, %eq3A_121 : i32
      %jit3A_123 = arith.constant 1 : i32
      %select_n3A_124 = arith.select %eq3A_122, %jit3A_123, %jit3A_120 : i32
      %rem3A_125 = arith.remsi %add3A_90, %select_n3A_124 : i32
      %ne3A_126 = arith.constant 0 : i32
      %ne3A_127 = arith.cmpi ne, %rem3A_125, %ne3A_126 : i32
      %lt3A_128 = arith.constant 0 : i32
      %lt3A_129 = arith.cmpi slt, %rem3A_125, %lt3A_128 : i32
      %lt3A_130 = arith.constant 0 : i32
      %lt3A_131 = arith.cmpi slt, %select_n3A_124, %lt3A_130 : i32
      %ne3A_132 = arith.xori %lt3A_129, %lt3A_131 : i1
      %and3A_133 = arith.andi %ne3A_132, %ne3A_127 : i1
      %add3A_134 = arith.addi %rem3A_125, %select_n3A_124 : i32
      %select_n3A_135 = arith.select %and3A_133, %add3A_134, %rem3A_125 : i32
      %eq3A_136 = vector.broadcast %select_n3A_135 : i32 to vector<16xi32>
      %eq3A_137 = arith.cmpi eq, %iota3A, %eq3A_136 : vector<16xi32>
      %jit3A_138 = arith.constant 0 : i32
      %broadcast_in_dim3A = vector.broadcast %jit3A_138 : i32 to vector<16xi32>
      %select_n3A_139 = arith.select %eq3A_137, %get3A_119, %broadcast_in_dim3A : vector<16xi1>, vector<16xi32>
      %reduce_sum3A = arith.constant true
      %reduce_sum3A_140 = vector.broadcast %reduce_sum3A : i1 to vector<16xi1>
      %reduce_sum3A_141 = tpu.scan <sum>, %select_n3A_139 masked %reduce_sum3A_140 : vector<16xi32>, vector<16xi1> -> vector<16xi32>
      %reduce_sum3A_142 = vector.extract %reduce_sum3A_141[15] : i32 from vector<16xi32>
      %dma_start3A = arith.constant 0 : i32
      %dma_start3A_143 = arith.constant 0 : i32
      %dma_start3A_144 = arith.constant 0 : i32
      %dma_start3A_145 = arith.constant 0 : i32
      %dma_start3A_146 = arith.constant 0 : i32
      %dma_start3A_147 = tpu.memref_slice %arg6[%dma_start3A, %dma_start3A_143, %dma_start3A_144, %dma_start3A_145, %dma_start3A_146] : memref<2x1x1x224x224xf32, #tpu.memory_space<vmem>> -> memref<1x1x1x224x224xf32, #tpu.memory_space<vmem>>
      %dma_start3A_148 = tpu.memref_squeeze %dma_start3A_147 : memref<1x1x1x224x224xf32, #tpu.memory_space<vmem>> -> memref<1x1x224x224xf32, #tpu.memory_space<vmem>>
      %dma_start3A_149 = arith.constant 0 : i32
      %dma_start3A_150 = arith.constant 0 : i32
      %dma_start3A_151 = tpu.memref_slice %arg2[%select_n3A, %reduce_sum3A_142, %dma_start3A_149, %dma_start3A_150] : memref<16x96x224x224xf32, #tpu.memory_space<hbm>> -> memref<1x1x224x224xf32, #tpu.memory_space<hbm>>
      %dma_start3A_152 = arith.constant 0 : i32
      %dma_start3A_153 = arith.constant 0 : i32
      %dma_start3A_154 = arith.constant 0 : i32
      %dma_start3A_155 = arith.constant 0 : i32
      %dma_start3A_156 = tpu.memref_slice %arg6[%dma_start3A, %dma_start3A_152, %dma_start3A_153, %dma_start3A_154, %dma_start3A_155] : memref<2x1x1x224x224xf32, #tpu.memory_space<vmem>> -> memref<1x1x1x224x224xf32, #tpu.memory_space<vmem>>
      %dma_start3A_157 = tpu.memref_squeeze %dma_start3A_156 : memref<1x1x1x224x224xf32, #tpu.memory_space<vmem>> -> memref<1x1x224x224xf32, #tpu.memory_space<vmem>>
      %dma_start3A_158 = arith.constant 0 : i32
      %dma_start3A_159 = arith.constant 0 : i32
      %dma_start3A_160 = tpu.memref_slice %arg2[%select_n3A, %reduce_sum3A_142, %dma_start3A_158, %dma_start3A_159] : memref<16x96x224x224xf32, #tpu.memory_space<hbm>> -> memref<1x1x224x224xf32, #tpu.memory_space<hbm>>
      tpu.enqueue_dma source(%dma_start3A_160 : memref<1x1x224x224xf32, #tpu.memory_space<hbm>>) target(%dma_start3A_157 : memref<1x1x224x224xf32, #tpu.memory_space<vmem>>) target_semaphore(%arg7 : memref<!tpu.dma_semaphore, #tpu.memory_space<semaphore_mem>>)
      %dma_wait3A_161 = arith.constant 0 : i32
      %dma_wait3A_162 = arith.constant 0 : i32
      %dma_wait3A_163 = arith.constant 0 : i32
      %dma_wait3A_164 = arith.constant 0 : i32
      %dma_wait3A_165 = arith.constant 0 : i32
      %dma_wait3A_166 = tpu.memref_slice %arg6[%dma_wait3A_161, %dma_wait3A_162, %dma_wait3A_163, %dma_wait3A_164, %dma_wait3A_165] : memref<2x1x1x224x224xf32, #tpu.memory_space<vmem>> -> memref<1x1x1x224x224xf32, #tpu.memory_space<vmem>>
      %dma_wait3A_167 = tpu.memref_squeeze %dma_wait3A_166 : memref<1x1x1x224x224xf32, #tpu.memory_space<vmem>> -> memref<1x1x224x224xf32, #tpu.memory_space<vmem>>
      %dma_wait3A_168 = arith.constant 0 : i32
      %dma_wait3A_169 = arith.constant 0 : i32
      %dma_wait3A_170 = tpu.memref_slice %arg2[%select_n3A, %reduce_sum3A_142, %dma_wait3A_168, %dma_wait3A_169] : memref<16x96x224x224xf32, #tpu.memory_space<hbm>> -> memref<1x1x224x224xf32, #tpu.memory_space<hbm>>
      %dma_wait3A_171 = arith.constant 0 : i32
      %dma_wait3A_172 = arith.constant 0 : i32
      %dma_wait3A_173 = arith.constant 0 : i32
      %dma_wait3A_174 = arith.constant 0 : i32
      %dma_wait3A_175 = tpu.memref_slice %arg6[%dma_wait3A_161, %dma_wait3A_171, %dma_wait3A_172, %dma_wait3A_173, %dma_wait3A_174] : memref<2x1x1x224x224xf32, #tpu.memory_space<vmem>> -> memref<1x1x1x224x224xf32, #tpu.memory_space<vmem>>
      %dma_wait3A_176 = tpu.memref_squeeze %dma_wait3A_175 : memref<1x1x1x224x224xf32, #tpu.memory_space<vmem>> -> memref<1x1x224x224xf32, #tpu.memory_space<vmem>>
      %dma_wait3A_177 = arith.constant 0 : i32
      %dma_wait3A_178 = arith.constant 0 : i32
      %dma_wait3A_179 = tpu.memref_slice %arg2[%select_n3A, %reduce_sum3A_142, %dma_wait3A_177, %dma_wait3A_178] : memref<16x96x224x224xf32, #tpu.memory_space<hbm>> -> memref<1x1x224x224xf32, #tpu.memory_space<hbm>>
      tpu.wait_dma2 semaphore(%arg7 : memref<!tpu.dma_semaphore, #tpu.memory_space<semaphore_mem>>) src(%dma_wait3A_179 : memref<1x1x224x224xf32, #tpu.memory_space<hbm>>) dst(%dma_wait3A_176 : memref<1x1x224x224xf32, #tpu.memory_space<vmem>>)
      %dma_start3A_180 = arith.constant 0 : i32
      %dma_start3A_181 = arith.constant 0 : i32
      %dma_start3A_182 = arith.constant 0 : i32
      %dma_start3A_183 = arith.constant 0 : i32
      %dma_start3A_184 = arith.constant 0 : i32
      %dma_start3A_185 = tpu.memref_slice %arg6[%dma_start3A_180, %dma_start3A_181, %dma_start3A_182, %dma_start3A_183, %dma_start3A_184] : memref<2x1x1x224x224xf32, #tpu.memory_space<vmem>> -> memref<1x1x1x224x224xf32, #tpu.memory_space<vmem>>
      %dma_start3A_186 = tpu.memref_squeeze %dma_start3A_185 : memref<1x1x1x224x224xf32, #tpu.memory_space<vmem>> -> memref<1x1x224x224xf32, #tpu.memory_space<vmem>>
      %dma_start3A_187 = arith.constant 0 : i32
      %dma_start3A_188 = arith.constant 0 : i32
      %dma_start3A_189 = tpu.memref_slice %arg4[%select_n3A, %add3A_90, %dma_start3A_187, %dma_start3A_188] : memref<16x96x224x224xf32, #tpu.memory_space<hbm>> -> memref<1x1x224x224xf32, #tpu.memory_space<hbm>>
      %dma_start3A_190 = arith.constant 0 : i32
      %dma_start3A_191 = arith.constant 0 : i32
      %dma_start3A_192 = tpu.memref_slice %arg4[%select_n3A, %add3A_90, %dma_start3A_190, %dma_start3A_191] : memref<16x96x224x224xf32, #tpu.memory_space<hbm>> -> memref<1x1x224x224xf32, #tpu.memory_space<hbm>>
      %dma_start3A_193 = arith.constant 0 : i32
      %dma_start3A_194 = arith.constant 0 : i32
      %dma_start3A_195 = arith.constant 0 : i32
      %dma_start3A_196 = arith.constant 0 : i32
      %dma_start3A_197 = tpu.memref_slice %arg6[%dma_start3A_180, %dma_start3A_193, %dma_start3A_194, %dma_start3A_195, %dma_start3A_196] : memref<2x1x1x224x224xf32, #tpu.memory_space<vmem>> -> memref<1x1x1x224x224xf32, #tpu.memory_space<vmem>>
      %dma_start3A_198 = tpu.memref_squeeze %dma_start3A_197 : memref<1x1x1x224x224xf32, #tpu.memory_space<vmem>> -> memref<1x1x224x224xf32, #tpu.memory_space<vmem>>
      tpu.enqueue_dma source(%dma_start3A_198 : memref<1x1x224x224xf32, #tpu.memory_space<vmem>>) target(%dma_start3A_192 : memref<1x1x224x224xf32, #tpu.memory_space<hbm>>) target_semaphore(%arg9 : memref<!tpu.dma_semaphore, #tpu.memory_space<semaphore_mem>>)
      %mul3A_199 = arith.constant 2 : i32
      %mul3A_200 = arith.muli %mul3A_199, %scan3A_84 : i32
      %add3A_201 = arith.constant 1 : i32
      %add3A_202 = arith.addi %mul3A_200, %add3A_201 : i32
      %add3A_203 = arith.addi %mul3A_32, %add3A_202 : i32
      %gt3A_204 = arith.constant 0 : i32
      %gt3A_205 = arith.cmpi sgt, %scan3A_84, %gt3A_204 : i32
      %convert_element_type3A_206 = arith.extui %gt3A_205 : i1 to i32
      %cond3A_207 = arith.constant 0 : i32
      %cond3A_208 = arith.cmpi ne, %convert_element_type3A_206, %cond3A_207 : i32
      scf.if %cond3A_208 {
        %dma_wait3A_321 = arith.constant 1 : i32
        %dma_wait3A_322 = arith.constant 0 : i32
        %dma_wait3A_323 = arith.constant 0 : i32
        %dma_wait3A_324 = arith.constant 0 : i32
        %dma_wait3A_325 = arith.constant 0 : i32
        %dma_wait3A_326 = tpu.memref_slice %arg6[%dma_wait3A_321, %dma_wait3A_322, %dma_wait3A_323, %dma_wait3A_324, %dma_wait3A_325] : memref<2x1x1x224x224xf32, #tpu.memory_space<vmem>> -> memref<1x1x1x224x224xf32, #tpu.memory_space<vmem>>
        %dma_wait3A_327 = tpu.memref_squeeze %dma_wait3A_326 : memref<1x1x1x224x224xf32, #tpu.memory_space<vmem>> -> memref<1x1x224x224xf32, #tpu.memory_space<vmem>>
        %dma_wait3A_328 = arith.constant 0 : i32
        %dma_wait3A_329 = arith.constant 0 : i32
        %dma_wait3A_330 = arith.constant 0 : i32
        %dma_wait3A_331 = arith.constant 0 : i32
        %dma_wait3A_332 = tpu.memref_slice %arg4[%dma_wait3A_328, %dma_wait3A_329, %dma_wait3A_330, %dma_wait3A_331] : memref<16x96x224x224xf32, #tpu.memory_space<hbm>> -> memref<1x1x224x224xf32, #tpu.memory_space<hbm>>
        %dma_wait3A_333 = arith.constant 0 : i32
        %dma_wait3A_334 = arith.constant 0 : i32
        %dma_wait3A_335 = arith.constant 0 : i32
        %dma_wait3A_336 = arith.constant 0 : i32
        %dma_wait3A_337 = tpu.memref_slice %arg4[%dma_wait3A_333, %dma_wait3A_334, %dma_wait3A_335, %dma_wait3A_336] : memref<16x96x224x224xf32, #tpu.memory_space<hbm>> -> memref<1x1x224x224xf32, #tpu.memory_space<hbm>>
        %dma_wait3A_338 = arith.constant 0 : i32
        %dma_wait3A_339 = arith.constant 0 : i32
        %dma_wait3A_340 = arith.constant 0 : i32
        %dma_wait3A_341 = arith.constant 0 : i32
        %dma_wait3A_342 = tpu.memref_slice %arg6[%dma_wait3A_321, %dma_wait3A_338, %dma_wait3A_339, %dma_wait3A_340, %dma_wait3A_341] : memref<2x1x1x224x224xf32, #tpu.memory_space<vmem>> -> memref<1x1x1x224x224xf32, #tpu.memory_space<vmem>>
        %dma_wait3A_343 = tpu.memref_squeeze %dma_wait3A_342 : memref<1x1x1x224x224xf32, #tpu.memory_space<vmem>> -> memref<1x1x224x224xf32, #tpu.memory_space<vmem>>
        tpu.wait_dma2 semaphore(%arg10 : memref<!tpu.dma_semaphore, #tpu.memory_space<semaphore_mem>>) src(%dma_wait3A_343 : memref<1x1x224x224xf32, #tpu.memory_space<vmem>>) dst(%dma_wait3A_337 : memref<1x1x224x224xf32, #tpu.memory_space<hbm>>)
      } else {
      }
      %jit3A_209 = arith.constant 16 : i32
      %div3A_210 = arith.divsi %add3A_203, %jit3A_209 : i32
      %sign3A_211 = arith.constant 0 : i32
      %sign3A_212 = arith.cmpi sgt, %add3A_203, %sign3A_211 : i32
      %sign3A_213 = arith.extui %sign3A_212 : i1 to i32
      %sign3A_214 = arith.constant 0 : i32
      %sign3A_215 = arith.cmpi slt, %add3A_203, %sign3A_214 : i32
      %sign3A_216 = arith.extui %sign3A_215 : i1 to i32
      %sign3A_217 = arith.subi %sign3A_213, %sign3A_216 : i32
      %sign3A_218 = arith.constant 0 : i32
      %sign3A_219 = arith.cmpi sgt, %jit3A_209, %sign3A_218 : i32
      %sign3A_220 = arith.extui %sign3A_219 : i1 to i32
      %sign3A_221 = arith.constant 0 : i32
      %sign3A_222 = arith.cmpi slt, %jit3A_209, %sign3A_221 : i32
      %sign3A_223 = arith.extui %sign3A_222 : i1 to i32
      %sign3A_224 = arith.subi %sign3A_220, %sign3A_223 : i32
      %ne3A_225 = arith.cmpi ne, %sign3A_217, %sign3A_224 : i32
      %rem3A_226 = arith.remsi %add3A_203, %jit3A_209 : i32
      %ne3A_227 = arith.constant 0 : i32
      %ne3A_228 = arith.cmpi ne, %rem3A_226, %ne3A_227 : i32
      %and3A_229 = arith.andi %ne3A_225, %ne3A_228 : i1
      %sub3A_230 = arith.constant 1 : i32
      %sub3A_231 = arith.subi %div3A_210, %sub3A_230 : i32
      %select_n3A_232 = arith.select %and3A_229, %sub3A_231, %div3A_210 : i32
      %mul3A_233 = arith.constant 16 : i32
      %mul3A_234 = arith.muli %select_n3A_232, %mul3A_233 : i32
      %get3A_235 = arith.index_cast %mul3A_234 : i32 to index
      %get3A_236 = tpu.vector_load %arg5[%get3A_235] {strides = array<i32>} : memref<96xi32, #tpu.memory_space<vmem>>, vector<16xi32>,
      %iota3A_237 = tpu.iota {dimensions = array<i32: 0>} : vector<16xi32>
      %jit3A_238 = arith.constant 16 : i32
      %eq3A_239 = arith.constant 0 : i32
      %eq3A_240 = arith.cmpi eq, %jit3A_238, %eq3A_239 : i32
      %jit3A_241 = arith.constant 1 : i32
      %select_n3A_242 = arith.select %eq3A_240, %jit3A_241, %jit3A_238 : i32
      %rem3A_243 = arith.remsi %add3A_203, %select_n3A_242 : i32
      %ne3A_244 = arith.constant 0 : i32
      %ne3A_245 = arith.cmpi ne, %rem3A_243, %ne3A_244 : i32
      %lt3A_246 = arith.constant 0 : i32
      %lt3A_247 = arith.cmpi slt, %rem3A_243, %lt3A_246 : i32
      %lt3A_248 = arith.constant 0 : i32
      %lt3A_249 = arith.cmpi slt, %select_n3A_242, %lt3A_248 : i32
      %ne3A_250 = arith.xori %lt3A_247, %lt3A_249 : i1
      %and3A_251 = arith.andi %ne3A_250, %ne3A_245 : i1
      %add3A_252 = arith.addi %rem3A_243, %select_n3A_242 : i32
      %select_n3A_253 = arith.select %and3A_251, %add3A_252, %rem3A_243 : i32
      %eq3A_254 = vector.broadcast %select_n3A_253 : i32 to vector<16xi32>
      %eq3A_255 = arith.cmpi eq, %iota3A_237, %eq3A_254 : vector<16xi32>
      %jit3A_256 = arith.constant 0 : i32
      %broadcast_in_dim3A_257 = vector.broadcast %jit3A_256 : i32 to vector<16xi32>
      %select_n3A_258 = arith.select %eq3A_255, %get3A_236, %broadcast_in_dim3A_257 : vector<16xi1>, vector<16xi32>
      %reduce_sum3A_259 = arith.constant true
      %reduce_sum3A_260 = vector.broadcast %reduce_sum3A_259 : i1 to vector<16xi1>
      %reduce_sum3A_261 = tpu.scan <sum>, %select_n3A_258 masked %reduce_sum3A_260 : vector<16xi32>, vector<16xi1> -> vector<16xi32>
      %reduce_sum3A_262 = vector.extract %reduce_sum3A_261[15] : i32 from vector<16xi32>
      %dma_start3A_263 = arith.constant 1 : i32
      %dma_start3A_264 = arith.constant 0 : i32
      %dma_start3A_265 = arith.constant 0 : i32
      %dma_start3A_266 = arith.constant 0 : i32
      %dma_start3A_267 = arith.constant 0 : i32
      %dma_start3A_268 = tpu.memref_slice %arg6[%dma_start3A_263, %dma_start3A_264, %dma_start3A_265, %dma_start3A_266, %dma_start3A_267] : memref<2x1x1x224x224xf32, #tpu.memory_space<vmem>> -> memref<1x1x1x224x224xf32, #tpu.memory_space<vmem>>
      %dma_start3A_269 = tpu.memref_squeeze %dma_start3A_268 : memref<1x1x1x224x224xf32, #tpu.memory_space<vmem>> -> memref<1x1x224x224xf32, #tpu.memory_space<vmem>>
      %dma_start3A_270 = arith.constant 0 : i32
      %dma_start3A_271 = arith.constant 0 : i32
      %dma_start3A_272 = tpu.memref_slice %arg2[%select_n3A, %reduce_sum3A_262, %dma_start3A_270, %dma_start3A_271] : memref<16x96x224x224xf32, #tpu.memory_space<hbm>> -> memref<1x1x224x224xf32, #tpu.memory_space<hbm>>
      %dma_start3A_273 = arith.constant 0 : i32
      %dma_start3A_274 = arith.constant 0 : i32
      %dma_start3A_275 = arith.constant 0 : i32
      %dma_start3A_276 = arith.constant 0 : i32
      %dma_start3A_277 = tpu.memref_slice %arg6[%dma_start3A_263, %dma_start3A_273, %dma_start3A_274, %dma_start3A_275, %dma_start3A_276] : memref<2x1x1x224x224xf32, #tpu.memory_space<vmem>> -> memref<1x1x1x224x224xf32, #tpu.memory_space<vmem>>
      %dma_start3A_278 = tpu.memref_squeeze %dma_start3A_277 : memref<1x1x1x224x224xf32, #tpu.memory_space<vmem>> -> memref<1x1x224x224xf32, #tpu.memory_space<vmem>>
      %dma_start3A_279 = arith.constant 0 : i32
      %dma_start3A_280 = arith.constant 0 : i32
      %dma_start3A_281 = tpu.memref_slice %arg2[%select_n3A, %reduce_sum3A_262, %dma_start3A_279, %dma_start3A_280] : memref<16x96x224x224xf32, #tpu.memory_space<hbm>> -> memref<1x1x224x224xf32, #tpu.memory_space<hbm>>
      tpu.enqueue_dma source(%dma_start3A_281 : memref<1x1x224x224xf32, #tpu.memory_space<hbm>>) target(%dma_start3A_278 : memref<1x1x224x224xf32, #tpu.memory_space<vmem>>) target_semaphore(%arg8 : memref<!tpu.dma_semaphore, #tpu.memory_space<semaphore_mem>>)
      %dma_wait3A_282 = arith.constant 1 : i32
      %dma_wait3A_283 = arith.constant 0 : i32
      %dma_wait3A_284 = arith.constant 0 : i32
      %dma_wait3A_285 = arith.constant 0 : i32
      %dma_wait3A_286 = arith.constant 0 : i32
      %dma_wait3A_287 = tpu.memref_slice %arg6[%dma_wait3A_282, %dma_wait3A_283, %dma_wait3A_284, %dma_wait3A_285, %dma_wait3A_286] : memref<2x1x1x224x224xf32, #tpu.memory_space<vmem>> -> memref<1x1x1x224x224xf32, #tpu.memory_space<vmem>>
      %dma_wait3A_288 = tpu.memref_squeeze %dma_wait3A_287 : memref<1x1x1x224x224xf32, #tpu.memory_space<vmem>> -> memref<1x1x224x224xf32, #tpu.memory_space<vmem>>
      %dma_wait3A_289 = arith.constant 0 : i32
      %dma_wait3A_290 = arith.constant 0 : i32
      %dma_wait3A_291 = tpu.memref_slice %arg2[%select_n3A, %reduce_sum3A_262, %dma_wait3A_289, %dma_wait3A_290] : memref<16x96x224x224xf32, #tpu.memory_space<hbm>> -> memref<1x1x224x224xf32, #tpu.memory_space<hbm>>
      %dma_wait3A_292 = arith.constant 0 : i32
      %dma_wait3A_293 = arith.constant 0 : i32
      %dma_wait3A_294 = arith.constant 0 : i32
      %dma_wait3A_295 = arith.constant 0 : i32
      %dma_wait3A_296 = tpu.memref_slice %arg6[%dma_wait3A_282, %dma_wait3A_292, %dma_wait3A_293, %dma_wait3A_294, %dma_wait3A_295] : memref<2x1x1x224x224xf32, #tpu.memory_space<vmem>> -> memref<1x1x1x224x224xf32, #tpu.memory_space<vmem>>
      %dma_wait3A_297 = tpu.memref_squeeze %dma_wait3A_296 : memref<1x1x1x224x224xf32, #tpu.memory_space<vmem>> -> memref<1x1x224x224xf32, #tpu.memory_space<vmem>>
      %dma_wait3A_298 = arith.constant 0 : i32
      %dma_wait3A_299 = arith.constant 0 : i32
      %dma_wait3A_300 = tpu.memref_slice %arg2[%select_n3A, %reduce_sum3A_262, %dma_wait3A_298, %dma_wait3A_299] : memref<16x96x224x224xf32, #tpu.memory_space<hbm>> -> memref<1x1x224x224xf32, #tpu.memory_space<hbm>>
      tpu.wait_dma2 semaphore(%arg8 : memref<!tpu.dma_semaphore, #tpu.memory_space<semaphore_mem>>) src(%dma_wait3A_300 : memref<1x1x224x224xf32, #tpu.memory_space<hbm>>) dst(%dma_wait3A_297 : memref<1x1x224x224xf32, #tpu.memory_space<vmem>>)
      %dma_start3A_301 = arith.constant 1 : i32
      %dma_start3A_302 = arith.constant 0 : i32
      %dma_start3A_303 = arith.constant 0 : i32
      %dma_start3A_304 = arith.constant 0 : i32
      %dma_start3A_305 = arith.constant 0 : i32
      %dma_start3A_306 = tpu.memref_slice %arg6[%dma_start3A_301, %dma_start3A_302, %dma_start3A_303, %dma_start3A_304, %dma_start3A_305] : memref<2x1x1x224x224xf32, #tpu.memory_space<vmem>> -> memref<1x1x1x224x224xf32, #tpu.memory_space<vmem>>
      %dma_start3A_307 = tpu.memref_squeeze %dma_start3A_306 : memref<1x1x1x224x224xf32, #tpu.memory_space<vmem>> -> memref<1x1x224x224xf32, #tpu.memory_space<vmem>>
      %dma_start3A_308 = arith.constant 0 : i32
      %dma_start3A_309 = arith.constant 0 : i32
      %dma_start3A_310 = tpu.memref_slice %arg4[%select_n3A, %add3A_203, %dma_start3A_308, %dma_start3A_309] : memref<16x96x224x224xf32, #tpu.memory_space<hbm>> -> memref<1x1x224x224xf32, #tpu.memory_space<hbm>>
      %dma_start3A_311 = arith.constant 0 : i32
      %dma_start3A_312 = arith.constant 0 : i32
      %dma_start3A_313 = tpu.memref_slice %arg4[%select_n3A, %add3A_203, %dma_start3A_311, %dma_start3A_312] : memref<16x96x224x224xf32, #tpu.memory_space<hbm>> -> memref<1x1x224x224xf32, #tpu.memory_space<hbm>>
      %dma_start3A_314 = arith.constant 0 : i32
      %dma_start3A_315 = arith.constant 0 : i32
      %dma_start3A_316 = arith.constant 0 : i32
      %dma_start3A_317 = arith.constant 0 : i32
      %dma_start3A_318 = tpu.memref_slice %arg6[%dma_start3A_301, %dma_start3A_314, %dma_start3A_315, %dma_start3A_316, %dma_start3A_317] : memref<2x1x1x224x224xf32, #tpu.memory_space<vmem>> -> memref<1x1x1x224x224xf32, #tpu.memory_space<vmem>>
      %dma_start3A_319 = tpu.memref_squeeze %dma_start3A_318 : memref<1x1x1x224x224xf32, #tpu.memory_space<vmem>> -> memref<1x1x224x224xf32, #tpu.memory_space<vmem>>
      tpu.enqueue_dma source(%dma_start3A_319 : memref<1x1x224x224xf32, #tpu.memory_space<vmem>>) target(%dma_start3A_313 : memref<1x1x224x224xf32, #tpu.memory_space<hbm>>) target_semaphore(%arg10 : memref<!tpu.dma_semaphore, #tpu.memory_space<semaphore_mem>>)
      %scan3A_320 = arith.constant 0 : i32
      scf.yield %scan3A_320 : i32
    }
    %scan3A_38 = arith.constant 24 : i32
    %dma_wait3A = arith.constant 0 : i32
    %dma_wait3A_39 = arith.constant 0 : i32
    %dma_wait3A_40 = arith.constant 0 : i32
    %dma_wait3A_41 = arith.constant 0 : i32
    %dma_wait3A_42 = arith.constant 0 : i32
    %dma_wait3A_43 = tpu.memref_slice %arg6[%dma_wait3A, %dma_wait3A_39, %dma_wait3A_40, %dma_wait3A_41, %dma_wait3A_42] : memref<2x1x1x224x224xf32, #tpu.memory_space<vmem>> -> memref<1x1x1x224x224xf32, #tpu.memory_space<vmem>>
    %dma_wait3A_44 = tpu.memref_squeeze %dma_wait3A_43 : memref<1x1x1x224x224xf32, #tpu.memory_space<vmem>> -> memref<1x1x224x224xf32, #tpu.memory_space<vmem>>
    %dma_wait3A_45 = arith.constant 0 : i32
    %dma_wait3A_46 = arith.constant 0 : i32
    %dma_wait3A_47 = arith.constant 0 : i32
    %dma_wait3A_48 = arith.constant 0 : i32
    %dma_wait3A_49 = tpu.memref_slice %arg4[%dma_wait3A_45, %dma_wait3A_46, %dma_wait3A_47, %dma_wait3A_48] : memref<16x96x224x224xf32, #tpu.memory_space<hbm>> -> memref<1x1x224x224xf32, #tpu.memory_space<hbm>>
    %dma_wait3A_50 = arith.constant 0 : i32
    %dma_wait3A_51 = arith.constant 0 : i32
    %dma_wait3A_52 = arith.constant 0 : i32
    %dma_wait3A_53 = arith.constant 0 : i32
    %dma_wait3A_54 = tpu.memref_slice %arg4[%dma_wait3A_50, %dma_wait3A_51, %dma_wait3A_52, %dma_wait3A_53] : memref<16x96x224x224xf32, #tpu.memory_space<hbm>> -> memref<1x1x224x224xf32, #tpu.memory_space<hbm>>
    %dma_wait3A_55 = arith.constant 0 : i32
    %dma_wait3A_56 = arith.constant 0 : i32
    %dma_wait3A_57 = arith.constant 0 : i32
    %dma_wait3A_58 = arith.constant 0 : i32
    %dma_wait3A_59 = tpu.memref_slice %arg6[%dma_wait3A, %dma_wait3A_55, %dma_wait3A_56, %dma_wait3A_57, %dma_wait3A_58] : memref<2x1x1x224x224xf32, #tpu.memory_space<vmem>> -> memref<1x1x1x224x224xf32, #tpu.memory_space<vmem>>
    %dma_wait3A_60 = tpu.memref_squeeze %dma_wait3A_59 : memref<1x1x1x224x224xf32, #tpu.memory_space<vmem>> -> memref<1x1x224x224xf32, #tpu.memory_space<vmem>>
    tpu.wait_dma2 semaphore(%arg9 : memref<!tpu.dma_semaphore, #tpu.memory_space<semaphore_mem>>) src(%dma_wait3A_60 : memref<1x1x224x224xf32, #tpu.memory_space<vmem>>) dst(%dma_wait3A_54 : memref<1x1x224x224xf32, #tpu.memory_space<hbm>>)
    %dma_wait3A_61 = arith.constant 1 : i32
    %dma_wait3A_62 = arith.constant 0 : i32
    %dma_wait3A_63 = arith.constant 0 : i32
    %dma_wait3A_64 = arith.constant 0 : i32
    %dma_wait3A_65 = arith.constant 0 : i32
    %dma_wait3A_66 = tpu.memref_slice %arg6[%dma_wait3A_61, %dma_wait3A_62, %dma_wait3A_63, %dma_wait3A_64, %dma_wait3A_65] : memref<2x1x1x224x224xf32, #tpu.memory_space<vmem>> -> memref<1x1x1x224x224xf32, #tpu.memory_space<vmem>>
    %dma_wait3A_67 = tpu.memref_squeeze %dma_wait3A_66 : memref<1x1x1x224x224xf32, #tpu.memory_space<vmem>> -> memref<1x1x224x224xf32, #tpu.memory_space<vmem>>
    %dma_wait3A_68 = arith.constant 0 : i32
    %dma_wait3A_69 = arith.constant 0 : i32
    %dma_wait3A_70 = arith.constant 0 : i32
    %dma_wait3A_71 = arith.constant 0 : i32
    %dma_wait3A_72 = tpu.memref_slice %arg4[%dma_wait3A_68, %dma_wait3A_69, %dma_wait3A_70, %dma_wait3A_71] : memref<16x96x224x224xf32, #tpu.memory_space<hbm>> -> memref<1x1x224x224xf32, #tpu.memory_space<hbm>>
    %dma_wait3A_73 = arith.constant 0 : i32
    %dma_wait3A_74 = arith.constant 0 : i32
    %dma_wait3A_75 = arith.constant 0 : i32
    %dma_wait3A_76 = arith.constant 0 : i32
    %dma_wait3A_77 = tpu.memref_slice %arg4[%dma_wait3A_73, %dma_wait3A_74, %dma_wait3A_75, %dma_wait3A_76] : memref<16x96x224x224xf32, #tpu.memory_space<hbm>> -> memref<1x1x224x224xf32, #tpu.memory_space<hbm>>
    %dma_wait3A_78 = arith.constant 0 : i32
    %dma_wait3A_79 = arith.constant 0 : i32
    %dma_wait3A_80 = arith.constant 0 : i32
    %dma_wait3A_81 = arith.constant 0 : i32
    %dma_wait3A_82 = tpu.memref_slice %arg6[%dma_wait3A_61, %dma_wait3A_78, %dma_wait3A_79, %dma_wait3A_80, %dma_wait3A_81] : memref<2x1x1x224x224xf32, #tpu.memory_space<vmem>> -> memref<1x1x1x224x224xf32, #tpu.memory_space<vmem>>
    %dma_wait3A_83 = tpu.memref_squeeze %dma_wait3A_82 : memref<1x1x1x224x224xf32, #tpu.memory_space<vmem>> -> memref<1x1x224x224xf32, #tpu.memory_space<vmem>>
    tpu.wait_dma2 semaphore(%arg10 : memref<!tpu.dma_semaphore, #tpu.memory_space<semaphore_mem>>) src(%dma_wait3A_83 : memref<1x1x224x224xf32, #tpu.memory_space<vmem>>) dst(%dma_wait3A_77 : memref<1x1x224x224xf32, #tpu.memory_space<hbm>>)
    return
  }
}

</mosaic_0001>

<sc_bundles>
// kernel: kernel.3.cloned.1.call-start
scs
__scs_entry_jumppad:
0x0: {  	(pc) =	sbr.rel $0x88, $3  }
0x1: {  	(tag) =	ssettag $0x0;
	lr =	simm.s32 $0x1  }
0x2: {  	[smem:$0x3F9F] =	sst lr;
	_ =	strace $0xD0000000  }
0x3: {  	_ = 	snop  }
0x4: {  	_ = 	snop  }
0x5: {  	_ = 	snop  }
0x6: {  	_ = 	snop  }
0x7: {  	_ = 	snop  }
__scs_overlays_trampoline_lowered:
0x8: {  	[smem:$0x3FAE] =	sst s0  }
0x9: {  	[smem:$0x3FAF] =	sst s1  }
0xa: {  	[smem:$0x3FB0] =	sst s2  }
0xb: {  	[smem:$0x3FB1] =	sst s3  }
0xc: {  	[smem:$0x3FB2] =	sst s4  }
0xd: {  	[smem:$0x3FB3] =	sst s5  }
0xe: {  	[smem:$0x3FB4] =	sst s6  }
0xf: {  	[smem:$0x3FB5] =	sst s7  }
0x10: {  	[smem:$0x3FB6] =	sst s8  }
0x11: {  	[smem:$0x3FB7] =	sst s9;
	s0 =	simm.s32 @!p0 $0x0  }
0x12: {  	s1 =	sld [smem:$0x3F9D];
	s0 =	simm.s32 @p0 $0x1  }
0x13: {  	[smem:$0x3FB8] =	sst s0;
	s0 =	simm.s32 @!p1 $0x0  }
0x14: {  	s2 =	sld [smem:$0x3F9C];
	s0 =	simm.s32 @p1 $0x1  }
0x15: {  	[smem:$0x3FB9] =	sst s0;
	s0 =	simm.s32 @!p2 $0x0  }
0x16: {  	s3 =	sld [smem:$0x3FDB];
	s0 =	simm.s32 @p2 $0x1  }
0x17: {  	s4 =	simm.s32 $0x1BF5;
	[smem:$0x3FBB] =	sst s0  }
0x18: {  	s0 =	sld [smem:$0x3F9E];
	_ =	swait.ge [sflag:s4], $0x0  }
0x19: {  	s7 =	sld [smem:$0x3F9F]  }
0x1a: {  	s8 =	sadd.s32 $0xFFFFE003, lr  }
0x1b: {  	s9 =	sadd.s32 $0xFFFFFEF7, lr;
	s5 =	simm.s32 $0xFFFFFFFF;
	p2 =	slt.u32 s8, $0xFFFFF086  }
0x1c: {  	p1 =	slt.u32 s9, $0xF7A;
	s5 =	simm.s32 @!p2 $0x0  }
0x1d: {  	s5 =	simm.s32 @p1 $0x1;
	p0 =	seq.s32 s7, s2  }
0x1e: {  	s7 =	smul.u32 @!p0 $0xF7A, s2;
	p2 =	seq.s32 @!p0 s5, $0x0  }
0x1f: {  	s9 =	smul.u32 $0xF7A, s1;
	s8 =	simm.s32 @!p0 $0x1BF5;
	p2 =	por !p2, p0  }
0x20: {  	[sflag:s8] =	ssyncset.s32 @!p0 $0xFFFFF086;
	s6 =	sadd.s32 @!p0 s3, s7;
	s7 =	simm.s32 @!p0 $0x108  }
0x21: {  	s3 =	sadd.s32 s3, s9;
	s6 =	sadd.s32 @!p0 $0x88, s6;
	s7 =	simm.s32 @p2 $0x1082  }
0x22: {  	[simem:s7], [sflag:s8] =	dma.local @!p0 [hbm:s6], $0xF7A  }
0x23: {  	s9 =	sor.u32 $0xD0000000, s2;
	s6 =	simm.s32 $0x108;
	_ =	swait.ge @!p0 [sflag:s8], $0x0  }
0x24: {  	s3 =	sadd.s32 $0x88, s3;
	s6 =	simm.s32 @!p1 $0x1082;
	[sflag:s4] =	ssyncset.s32 $0xFFFFF086  }
0x25: {  	[simem:s6], [sflag:s4] =	dma.local [hbm:s3], $0xF7A  }
0x26: {  	[smem:$0x3F9F] =	sst s1;
	(tag) =	ssettag s2;
	_ =	strace s9  }
0x27: {  	s1 =	sld [smem:$0x3FAF]  }
0x28: {  	s2 =	sld [smem:$0x3FB0]  }
0x29: {  	s4 =	sld [smem:$0x3FB2]  }
0x2a: {  	p0 =	seq.s32 s5, $0x0;
	s5 =	sld [smem:$0x3FB3]  }
0x2b: {  	s6 =	sld [smem:$0x3FB4]  }
0x2c: {  	s7 =	sld [smem:$0x3FB5]  }
0x2d: {  	s3 =	simm.s32 $0x108;
	s8 =	sld [smem:$0x3FB6]  }
0x2e: {  	s3 =	simm.s32 @!p0 $0x1082;
	s9 =	sld [smem:$0x3FB7]  }
0x2f: {  	lr =	sadd.s32 s0, s3;
	s0 =	sld [smem:$0x3FAE]  }
0x30: {  	s3 =	sld [smem:$0x3FB1]  }
0x31: {  	[smem:$0x3FBA] =	sst s10  }
0x32: {  	s10 =	sld [smem:$0x3FB8];
	_ =	sdelay $0x3  }
0x33: {  	p0 =	seq.s32 s10, $0x1;
	s10 =	sld [smem:$0x3FBA];
	_ =	sdelay $0x3  }
0x34: {  	[smem:$0x3FBA] =	sst s10  }
0x35: {  	s10 =	sld [smem:$0x3FB9];
	_ =	sdelay $0x3  }
0x36: {  	p1 =	seq.s32 s10, $0x1;
	s10 =	sld [smem:$0x3FBA];
	_ =	sdelay $0x3  }
0x37: {  	[smem:$0x3FBA] =	sst s10  }
0x38: {  	s10 =	sld [smem:$0x3FBB]  }
0x39: {  	_ = 	snop;
	(pc) =	sbr.ind lr, $3  }
0x3a: {  	_ = 	snop  }
0x3b: {  	_ = 	snop  }
0x3c: {  	p2 =	seq.s32 s10, $0x1;
	s10 =	sld [smem:$0x3FBA]  }
0x3d: {  	_ =	shalt  }
0x3e: {  	_ =	shalt  }
0x3f: {  	_ =	shalt  }
0x40: {  	_ =	shalt  }
0x41: {  	_ =	shalt  }
0x42: {  	_ =	shalt  }
0x43: {  	_ =	shalt  }
0x44: {  	_ =	shalt  }
0x45: {  	_ =	shalt  }
0x46: {  	_ =	shalt  }
0x47: {  	_ =	shalt  }
0x48: {  	_ =	shalt  }
0x49: {  	_ =	shalt  }
0x4a: {  	_ =	shalt  }
0x4b: {  	_ =	shalt  }
0x4c: {  	_ =	shalt  }
0x4d: {  	_ =	shalt  }
0x4e: {  	_ =	shalt  }
0x4f: {  	_ =	shalt  }
0x50: {  	_ =	shalt  }
0x51: {  	_ =	shalt  }
0x52: {  	_ =	shalt  }
0x53: {  	_ =	shalt  }
0x54: {  	_ =	shalt  }
0x55: {  	_ =	shalt  }
0x56: {  	_ =	shalt  }
0x57: {  	_ =	shalt  }
0x58: {  	_ =	shalt  }
0x59: {  	_ =	shalt  }
0x5a: {  	_ =	shalt  }
0x5b: {  	_ =	shalt  }
0x5c: {  	_ =	shalt  }
0x5d: {  	_ =	shalt  }
0x5e: {  	_ =	shalt  }
0x5f: {  	_ =	shalt  }
0x60: {  	_ =	shalt  }
0x61: {  	_ =	shalt  }
0x62: {  	_ =	shalt  }
0x63: {  	_ =	shalt  }
0x64: {  	_ =	shalt  }
0x65: {  	_ =	shalt  }
0x66: {  	_ =	shalt  }
0x67: {  	_ =	shalt  }
0x68: {  	_ =	shalt  }
0x69: {  	_ =	shalt  }
0x6a: {  	_ =	shalt  }
0x6b: {  	_ =	shalt  }
0x6c: {  	_ =	shalt  }
0x6d: {  	_ =	shalt  }
0x6e: {  	_ =	shalt  }
0x6f: {  	_ =	shalt  }
0x70: {  	_ =	shalt  }
0x71: {  	_ =	shalt  }
0x72: {  	_ =	shalt  }
0x73: {  	_ =	shalt  }
0x74: {  	_ =	shalt  }
0x75: {  	_ =	shalt  }
0x76: {  	_ =	shalt  }
0x77: {  	_ =	shalt  }
0x78: {  	_ =	shalt  }
0x79: {  	_ =	shalt  }
0x7a: {  	_ =	shalt  }
0x7b: {  	_ =	shalt  }
0x7c: {  	_ =	shalt  }
0x7d: {  	_ =	shalt  }
0x7e: {  	_ =	shalt  }
0x7f: {  	_ =	shalt  }
0x80: {  	_ =	shalt  }
0x81: {  	_ =	shalt  }
0x82: {  	_ =	shalt  }
0x83: {  	_ =	shalt  }
0x84: {  	_ =	shalt  }
0x85: {  	_ =	shalt  }
0x86: {  	_ =	shalt  }
0x87: {  	_ =	shalt  }
.Lfunc_end0:
.L_simem_size_0:
called_computation_lowered:
.L_overlay_start_0:
0x88: {  	s2 =	sld [smem:$0x3FD9]  }
0x89: {  	s3 =	sld [smem:$0x3FFE];
	_ =	sdelay $0x1  }
0x8a: {  	s1 =	srdreg.scid  }
0x8b: {  	s0 =	sand.u32 $0x1, s1  }
0x8c: {  	s15 =	sshll.u32 s0, $0xA;
	s2 =	sadd.s32 s3, s2  }
0x8d: {  	s2 =	sadd.s32 s2, s15  }
0x8e: {  	[smem:$0x3FC6] =	sst s2  }
0x8f: {  	_ = 	snop  }
0x90: {  	s2 =	sld [smem:$0x3FD0];
	_ =	sdelay $0x1  }
0x91: {  	s16 =	sld [smem:$0x3FC9]  }
0x92: {  	s5 =	simm.s32 $0xA;
	s6 =	simm.s32 $0x10;
	s4 =	sld [smem:$0x3FC8]  }
0x93: {  	[smem:s6], [sflag:s5] =	dma.local [hbm:s2], $0x1  }
0x94: {  	_ =	swait.eq [sflag:s5], $0x1  }
0x95: {  	[sflag:s5] =	ssyncset.done $0x0  }
0x96: {  	[sflag:s5] =	ssyncadd.s32 $0xFFFFFFFF  }
0x97: {  	s17 =	sld [smem:$0x10];
	(tm) =	ssettm $0x1  }
0x98: {  	s18 =	sld [smem:$0x3FFB];
	_ =	sdelay $0x3  }
0x99: {  	_ =	strace s18  }
0x9a: {  	s5 =	sld [smem:$0x3FFC];
	_ =	sdelay $0x3  }
0x9b: {  	_ =	strace s5  }
0x9c: {  	s5 =	sld [smem:$0x3FFD];
	_ =	sdelay $0x3  }
0x9d: {  	_ =	strace s5  }
0x9e: {  	_ =	strace $0x8FFFFFFF  }
0x9f: {  	s19 =	sld [smem:$0x3FDB];
	_ =	sdelay $0x1  }
0xa0: {  	s20 =	simm.s32 $_scs_section_size  }
0xa1: {  	s7 =	simm.s32 $_size__tile_overlayer_lowered;
	s8 =	simm.s32 $_tile_overlayer_lowered  }
0xa2: {  	s23 =	simm.s32 $0x1BFF;
	s22 =	sshll.u32 s8, $0x1;
	s5 =	sadd.s32 s20, s19  }
0xa3: {  	s9 =	simm.s32 $0x0;
	s21 =	sshll.u32 s7, $0x1;
	s7 =	sadd.s32 s22, s5  }
0xa4: {  	[timem:s9], [sflag:s23] =	dma.local [hbm:s7], s21  }
0xa5: {  	_ =	swait.ge [sflag:s23], s21  }
0xa6: {  	s6 =	ssub.s32 $0x0, s21;
	[sflag:s23] =	ssyncset.done $0x0  }
0xa7: {  	[sflag:s23] =	ssyncadd.s32 s6;
	_ =	sdelay $0x1  }
0xa8: {  	s24 =	simm.s32 $0x1B8B  }
0xa9: {  	_ =	swait.ge [sflag:s24], $0x1  }
0xaa: {  	[sflag:s24] =	ssyncset.done $0x0  }
0xab: {  	s25 =	simm.s32 $0x1B8E;
	[sflag:s24] =	ssyncadd.s32 $0xFFFFFFFF  }
0xac: {  	s26 =	simm.s32 $execute0_lowered;
	[smem:$0x3FD2] =	sst s25  }
0xad: {  	s6 =	sshll.u32 s26, $0x1;
	_ =	strace $0x80000046;
	[dreg:$0x1] =	wrdreg $0xFFFFFFFF  }
0xae: {  	s28 =	simm.s32 $_size_execute0_lowered;
	s5 =	sadd.s32 s5, s6;
	[dreg:$0x0] =	wrdreg $0x0  }
0xaf: {  	s6 =	sshll.u32 s28, $0x1;
	[dreg:$0x2] =	wrdreg s5  }
0xb0: {  	[dreg:$0x3] =	wrdreg s6  }
0xb1: {  	[dreg:$0x4] =	wrdreg $0xC0  }
0xb2: {  	_ =	task [dreg:s9], $0x5FFFF  }
0xb3: {  	[dreg:$0x1] =	wrdreg $0xFFFFFFFF  }
0xb4: {  	[dreg:$0x0] =	wrdreg $0x60  }
0xb5: {  	[dreg:$0x2] =	wrdreg s16  }
0xb6: {  	[dreg:$0x3] =	wrdreg s4  }
0xb7: {  	[dreg:$0x4] =	wrdreg s17  }
0xb8: {  	[dreg:$0x5] =	wrdreg $0x9  }
0xb9: {  	_ =	task.clear_ibuf [dreg:s9], $0x6FFFF;
	_ =	strace $0x90000046  }
0xba: {  	s29 =	simm.s32 $0x9;
	_ =	strace $0x80000048  }
0xbb: {  	_ =	swait.ge [sflag:s29], $0x1  }
0xbc: {  	[sflag:s29] =	ssyncadd.s32 $0xFFFFFFFF  }
0xbd: {  	_ =	strace $0x90000048  }
0xbe: {  	_ =	sfence  }
0xbf: {  	s30 =	sld [smem:$0x0];
	_ =	sdelay $0x2  }
0xc0: {  	s31 =	sshll.u32 s1, $0xD;
	s1 =	sshrl.u32 s1, $0x2  }
0xc1: {  	s3 =	sand.u32 $0x4000, s31;
	s1 =	sadd.s32 s1, s30  }
0xc2: {  	s0 =	sor.u32 s3, s0;
	s1 =	sshll.u32 s1, $0x11  }
0xc3: {  	s0 =	sor.u32 s1, s0  }
0xc4: {  	s0 =	sadd.s32 $0x8F2B, s0  }
0xc5: {  	[sflag:s0] =	ssyncadd.remote.s32 $0x1  }
0xc6: {  	_ =	sfence.sel $0xFFFF  }
0xc7: {  	[dreg:$0x0] =	wrdreg $0xFFFFFFFF;
	(pc) =	sbr.abs _section_cstart, $3  }
0xc8: {  	[dreg:$0x1] =	wrdreg $0xFFFFFFFF  }
0xc9: {  	_ =	task.clear_ibuf [dreg:s9], $0x2FFFF;
	_ =	strace $0x9FFFFFFF  }
0xca: {  	(tm) =	ssettm $0x7FFFFFFF  }
0xcb: {  	_ =	shalt  }
tec
execute0_lowered:
.L_overlay_start_1:
0x0: {  	(tag) =	ssettag $0x1  }
0x1: {  	s1 =	srdreg.scid;
	s3 =	rddreg [dreg:$0x1]  }
0x2: {  	s0 =	stileid.u32;
	s4 =	rddreg [dreg:$0x2];
	s7 =	sand.u32 $0x1, s1  }
0x3: {  	s6 =	simm.s32 $0x1;
	s5 =	simm.s32 $0x0;
	s2 =	sor.u32 s7, s0  }
0x4: {  	s13 =	simm.s32 $0x80;
	p1 =	seq.s32 s7, $0x1;
	p0 =	seq.s32 s2, $0x0  }
0x5: {  	s14 =	simm.s32 $0xE080;
	s15 =	simm.s32 $0x2;
	p0 =	por !p0, !p1  }
0x6: {  	s16 =	simm.s32 $0x3;
	s17 =	simm.s32 $0x4;
	p0 =	por !p0, !p0  }
0x7: {  	s18 =	simm.s32 $0x0;
	s1 =	rddreg [dreg:$0x0];
	s6 =	simm.s32 @!p0 $0x0  }
0x8: {  	s9 =	ssub.s32 $0x2, s7;
	s8 =	ssub.s32 s0, s6;
	s6 =	simm.s32 $0x30  }
0x9: {  	s31 =	sshrl.u32 s9, $0x1;
	s6 =	simm.s32 @!p1 $0x0;
	s7 =	smul.u32 $0x540000, s8  }
0xa: {  	[smem:$0x7FF] =	sst s5;
	s9 =	ssub.s32 s9, s31;
	s10 =	smul.u32 $0xE000, s6  }
0xb: {  	s2 =	rddreg [dreg:$0x3];
	_ =	strace $0x80000047;
	s9 =	smax.u32 s9, $0x1  }
0xc: {  	s8 =	simm.s32 $0x1;
	s11 =	sshll.u32 s6, $0x2;
	s12 =	sadd.s32 s10, s7  }
0xd: {  	v0 =	vlaneseq.u32;
	s10 =	sor.u32 $0x4, s11;
	s11 =	sor.u32 $0xE000, s12;
	s12 =	simm.s32 $0x5  }
.LBB2_1:
0xe: {  	[tilespmem:s5], [sflag:$0x5] =	stream.linear.gather [hbm4b:s3+s5], $0x80, $0x38;
	[tilespmem:$0x1C080] =	vst v63  }
0xf: {  	s19 =	sadd.s32 $0x0, s6;
	s20 =	sand.u32 $0xE, s5  }
0x10: {  	s21 =	simm.s32 $0x1;
	p0 =	seq.s32 s19, $0x0;
	p1 =	sne.s32 s20, $0x0  }
0x11: {  	_ =	swait.ge [sflag:s12], $0x80;
	s19 =	sshrl.u32 s19, $0x4;
	p0 =	por !p0, !p1  }
0x12: {  	[sflag:s12] =	ssyncset.done $0x0;
	p1 =	por !p0, !p0;
	p0 =	por $0x1, $0x1  }
0x13: {  	[sflag:s12] =	ssyncadd.s32 $0xFFFFFF80;
	s21 =	simm.s32 @!p1 $0x0;
	s22 =	simm.s32 @!p0 $0x3  }
0x14: {  	s19 =	ssub.s32 s19, s21;
	_ =	swait.ge @!p0 [sflag:s22], $0xE000  }
0x15: {  	s19 =	sshll.u32 s19, $0x6;
	[sflag:s22] =	ssyncset.done @!p0 $0x0  }
0x16: {  	s19 =	sshra.s32 s19, $0x2;
	[sflag:s22] =	ssyncadd.s32 @!p0 $0xFFFF2000  }
0x17: {  	v1 =	vld [tilespmem:s19+$0x0];
	_ =	sdelay $0x2  }
0x18: {  	v2 =	vmov s20  }
0x19: {  	vm0 =	veq.s32 v2, v0  }
0x1a: {  	v1 =	vnsel vm0, $0x0, v1  }
0x1b: {  	(xrf0) =	vadd.scan.msk.s32 $0xffff, v1;
	_ =	sdelay $0x5  }
0x1c: {  	v1, _, _ =	vpop (xrf0)  }
0x1d: {  	(v2sf) =	vpush v1, $0xF;
	_ =	sdelay $0xe  }
0x1e: {  	s25 =	spop (v2sf)  }
0x1f: {  	s19 =	smul.u32 $0xE000, s25;
	_ =	sdelay $0x1  }
0x20: {  	s19 =	sadd.s32 s7, s19  }
0x21: {  	s19 =	sshrl.u32 s19, $0x3  }
0x22: {  	s19 =	sadd.s32 s1, s19  }
0x23: {  	[tilespmem:s13], [sflag:$0x1] =	stream.linear.gather [hbm4b:s19+s5], $0xE000, $0x38;
	[tilespmem:$0x1C080] =	vst v63  }
0x24: {  	s26 =	sadd.s32 $0xFFFF2000, s11;
	_ =	swait.ge [sflag:s8], $0xE000  }
0x25: {  	s19 =	sshrl.u32 s26, $0x3;
	[sflag:s8] =	ssyncset.done $0x0  }
0x26: {  	s20 =	simm.s32 @!p0 $0x4;
	s19 =	sadd.s32 s4, s19;
	[sflag:s8] =	ssyncadd.s32 $0xFFFF2000  }
0x27: {  	[hbm4b:s19+s5] =	stream.linear.scatter [tilespmem:s13], [sflag:$0x3], $0xE000, $0x38;
	[tilespmem:$0x1C080] =	vst v63  }
0x28: {  	_ =	swait.ge @!p0 [sflag:s20], $0xE000  }
0x29: {  	s28 =	sand.u32 $0x1C0, s10;
	[sflag:s20] =	ssyncset.done @!p0 $0x0  }
0x2a: {  	s19 =	sshrl.u32 s28, $0x2;
	[sflag:s20] =	ssyncadd.s32 @!p0 $0xFFFF2000  }
0x2b: {  	v1 =	vld [tilespmem:s19+$0x0]  }
0x2c: {  	s29 =	simm.s32 $0x1  }
0x2d: {  	s19 =	sand.u32 $0xF, s29  }
0x2e: {  	v2 =	vmov s19  }
0x2f: {  	vm15 =	veq.s32 v2, v0  }
0x30: {  	v1 =	vnsel vm15, $0x0, v1  }
0x31: {  	(xrf0) =	vadd.scan.msk.s32 $0xffff, v1;
	_ =	sdelay $0x5  }
0x32: {  	v1, _, _ =	vpop (xrf0)  }
0x33: {  	(v2sf) =	vpush v1, $0xF;
	_ =	sdelay $0xe  }
0x34: {  	s30 =	sshrl.u32 s11, $0x3;
	s23 =	sadd.s32 $0x2, s6;
	s31 =	spop (v2sf)  }
0x35: {  	p5 =	seq.s32 s23, $0x0;
	s20 =	simm.s32 $0x2;
	s21 =	smul.u32 $0xE000, s31  }
0x36: {  	s22 =	simm.s32 $0x4;
	s25 =	sadd.s32 s4, s30;
	s24 =	sand.u32 $0xE, s20  }
0x37: {  	s19 =	sadd.s32 $0x1C000, s11;
	p6 =	sne.s32 s24, $0x0;
	s21 =	sadd.s32 s7, s21  }
0x38: {  	p1 =	por !p5, !p6;
	v1 =	vmov s24;
	s24 =	sshrl.u32 s21, $0x3;
	s21 =	sadd.s32 $0x8, s10  }
.LBB2_2:
0x39: {  	p0 =	por !p1, !p1  }
0x3a: {  	s26 =	sadd.s32 s1, s24;
	s24 =	smov.u32 s22;
	s22 =	sadd.s32 $0x2, s22  }
0x3b: {  	[tilespmem:s14], [sflag:$0x2] =	stream.linear.gather [hbm4b:s26+s5], $0xE000, $0x38;
	[tilespmem:$0x1C080] =	vst v63  }
0x3c: {  	s26 =	simm.s32 $0x1  }
0x3d: {  	s23 =	sshrl.u32 s23, $0x4;
	s26 =	simm.s32 @!p0 $0x0;
	_ =	swait.ge [sflag:s15], $0xE000  }
0x3e: {  	p0 =	sne.s32 s22, $0x30;
	s23 =	ssub.s32 s23, s26;
	[sflag:s15] =	ssyncset.done $0x0  }
0x3f: {  	p1 =	seq.s32 s20, $0x0;
	s26 =	sshll.u32 s23, $0x6;
	[sflag:s15] =	ssyncadd.s32 $0xFFFF2000  }
0x40: {  	s28 =	simm.s32 @!p1 $0x3;
	s23 =	sshrl.u32 s19, $0x3  }
0x41: {  	[hbm4b:s25+s5] =	stream.linear.scatter [tilespmem:s14], [sflag:$0x4], $0xE000, $0x38;
	[tilespmem:$0x1C080] =	vst v63  }
0x42: {  	_ =	swait.ge @!p1 [sflag:s28], $0xE000  }
0x43: {  	s25 =	sshra.s32 s26, $0x2;
	[sflag:s28] =	ssyncset.done @!p1 $0x0  }
0x44: {  	[sflag:s28] =	ssyncadd.s32 @!p1 $0xFFFF2000  }
0x45: {  	v2 =	vld [tilespmem:s25+$0x0];
	_ =	sdelay $0x2  }
0x46: {  	vm0 =	veq.s32 v1, v0;
	_ =	sdelay $0x1  }
0x47: {  	v1 =	vnsel vm0, $0x0, v2  }
0x48: {  	(xrf0) =	vadd.scan.msk.s32 $0xffff, v1;
	_ =	sdelay $0x5  }
0x49: {  	v1, _, _ =	vpop (xrf0)  }
0x4a: {  	(v2sf) =	vpush v1, $0xF;
	_ =	sdelay $0xe  }
0x4b: {  	s25 =	spop (v2sf)  }
0x4c: {  	s25 =	smul.u32 $0xE000, s25;
	_ =	sdelay $0x1  }
0x4d: {  	s25 =	sadd.s32 s7, s25  }
0x4e: {  	s25 =	sshrl.u32 s25, $0x3  }
0x4f: {  	s25 =	sadd.s32 s1, s25  }
0x50: {  	[tilespmem:s13], [sflag:$0x1] =	stream.linear.gather [hbm4b:s25+s5], $0xE000, $0x38;
	[tilespmem:$0x1C080] =	vst v63  }
0x51: {  	s25 =	sadd.s32 $0xFFFF2000, s19;
	_ =	swait.ge [sflag:s8], $0xE000  }
0x52: {  	s25 =	sshrl.u32 s25, $0x3;
	[sflag:s8] =	ssyncset.done $0x0  }
0x53: {  	s26 =	simm.s32 @!p1 $0x4;
	s25 =	sadd.s32 s4, s25;
	[sflag:s8] =	ssyncadd.s32 $0xFFFF2000  }
0x54: {  	[hbm4b:s25+s5] =	stream.linear.scatter [tilespmem:s13], [sflag:$0x3], $0xE000, $0x38;
	[tilespmem:$0x1C080] =	vst v63  }
0x55: {  	_ =	swait.ge @!p1 [sflag:s26], $0xE000  }
0x56: {  	s25 =	sand.u32 $0x1C0, s21;
	[sflag:s26] =	ssyncset.done @!p1 $0x0  }
0x57: {  	s25 =	sshrl.u32 s25, $0x2;
	[sflag:s26] =	ssyncadd.s32 @!p1 $0xFFFF2000  }
0x58: {  	v1 =	vld [tilespmem:s25+$0x0]  }
0x59: {  	s25 =	sadd.s32 $0x1, s20;
	s20 =	smov.u32 s24  }
0x5a: {  	s24 =	sand.u32 $0xF, s25  }
0x5b: {  	v2 =	vmov s24  }
0x5c: {  	vm0 =	veq.s32 v2, v0  }
0x5d: {  	v1 =	vnsel vm0, $0x0, v1  }
0x5e: {  	(xrf0) =	vadd.scan.msk.s32 $0xffff, v1;
	_ =	sdelay $0x5  }
0x5f: {  	v1, _, _ =	vpop (xrf0)  }
0x60: {  	(v2sf) =	vpush v1, $0xF;
	_ =	sdelay $0xe  }
.Ltmp0:
0x61: {  	s24 =	spop (v2sf);
	(pc) =	sbr.rel @p0 .LBB2_2-.Ltmp0, $4  }
0x62: {  	s25 =	sadd.s32 s4, s23;
	s24 =	smul.u32 $0xE000, s24  }
0x63: {  	s19 =	sadd.s32 $0x1C000, s19;
	s23 =	sadd.s32 s20, s6;
	s26 =	sand.u32 $0xE, s20  }
0x64: {  	p1 =	seq.s32 s23, $0x0;
	p2 =	sne.s32 s26, $0x0;
	v1 =	vmov s26;
	s24 =	sadd.s32 s7, s24  }
0x65: {  	s21 =	sadd.s32 $0x8, s21;
	p1 =	por !p1, !p2;
	s24 =	sshrl.u32 s24, $0x3  }
0x66: {  	s22 =	sadd.s32 s1, s24  }
0x67: {  	[tilespmem:s14], [sflag:$0x2] =	stream.linear.gather [hbm4b:s22+s5], $0xE000, $0x38;
	[tilespmem:$0x1C080] =	vst v63  }
0x68: {  	p0 =	por !p1, !p1;
	s22 =	simm.s32 $0x1;
	_ =	swait.ge [sflag:s15], $0xE000  }
0x69: {  	s22 =	simm.s32 @!p0 $0x0;
	p0 =	seq.s32 s20, $0x0;
	[sflag:s15] =	ssyncset.done $0x0  }
0x6a: {  	s23 =	sshrl.u32 s23, $0x4;
	s24 =	simm.s32 @!p0 $0x3;
	[sflag:s15] =	ssyncadd.s32 $0xFFFF2000  }
0x6b: {  	[hbm4b:s25+s5] =	stream.linear.scatter [tilespmem:s14], [sflag:$0x4], $0xE000, $0x38;
	[tilespmem:$0x1C080] =	vst v63  }
0x6c: {  	s22 =	ssub.s32 s23, s22;
	_ =	swait.ge @!p0 [sflag:s24], $0xE000  }
0x6d: {  	s22 =	sshll.u32 s22, $0x6;
	[sflag:s24] =	ssyncset.done @!p0 $0x0  }
0x6e: {  	s22 =	sshra.s32 s22, $0x2;
	[sflag:s24] =	ssyncadd.s32 @!p0 $0xFFFF2000  }
0x6f: {  	v2 =	vld [tilespmem:s22+$0x0];
	_ =	sdelay $0x3  }
0x70: {  	vm0 =	veq.s32 v1, v0  }
0x71: {  	v1 =	vnsel vm0, $0x0, v2  }
0x72: {  	(xrf0) =	vadd.scan.msk.s32 $0xffff, v1;
	_ =	sdelay $0x5  }
0x73: {  	v1, _, _ =	vpop (xrf0)  }
0x74: {  	(v2sf) =	vpush v1, $0xF;
	_ =	sdelay $0xe  }
0x75: {  	s26 =	spop (v2sf)  }
0x76: {  	s22 =	smul.u32 $0xE000, s26;
	_ =	sdelay $0x1  }
0x77: {  	s22 =	sadd.s32 s7, s22  }
0x78: {  	s22 =	sshrl.u32 s22, $0x3  }
0x79: {  	s22 =	sadd.s32 s1, s22  }
0x7a: {  	[tilespmem:s13], [sflag:$0x1] =	stream.linear.gather [hbm4b:s22+s5], $0xE000, $0x38;
	[tilespmem:$0x1C080] =	vst v63  }
0x7b: {  	s28 =	sadd.s32 $0xFFFF2000, s19;
	_ =	swait.ge [sflag:s8], $0xE000  }
0x7c: {  	s22 =	sshrl.u32 s28, $0x3;
	[sflag:s8] =	ssyncset.done $0x0  }
0x7d: {  	s23 =	simm.s32 @!p0 $0x4;
	s22 =	sadd.s32 s4, s22;
	[sflag:s8] =	ssyncadd.s32 $0xFFFF2000  }
0x7e: {  	[hbm4b:s22+s5] =	stream.linear.scatter [tilespmem:s13], [sflag:$0x3], $0xE000, $0x38;
	[tilespmem:$0x1C080] =	vst v63  }
0x7f: {  	_ =	swait.ge @!p0 [sflag:s23], $0xE000  }
0x80: {  	s21 =	sand.u32 $0x1C0, s21;
	[sflag:s23] =	ssyncset.done @!p0 $0x0  }
0x81: {  	s21 =	sshrl.u32 s21, $0x2;
	[sflag:s23] =	ssyncadd.s32 @!p0 $0xFFFF2000  }
0x82: {  	v1 =	vld [tilespmem:s21+$0x0]  }
0x83: {  	s29 =	sadd.s32 $0x1, s20  }
0x84: {  	s20 =	sand.u32 $0xF, s29  }
0x85: {  	v2 =	vmov s20  }
0x86: {  	vm15 =	veq.s32 v2, v0  }
0x87: {  	v1 =	vnsel vm15, $0x0, v1  }
0x88: {  	(xrf0) =	vadd.scan.msk.s32 $0xffff, v1;
	_ =	sdelay $0x5  }
0x89: {  	v1, _, _ =	vpop (xrf0)  }
0x8a: {  	(v2sf) =	vpush v1, $0xF;
	_ =	sdelay $0xe  }
0x8b: {  	s30 =	spop (v2sf)  }
0x8c: {  	s20 =	smul.u32 $0xE000, s30;
	_ =	sdelay $0x1  }
0x8d: {  	s20 =	sadd.s32 s7, s20  }
0x8e: {  	s20 =	sshrl.u32 s20, $0x3  }
0x8f: {  	s20 =	sadd.s32 s1, s20  }
0x90: {  	[tilespmem:s14], [sflag:$0x2] =	stream.linear.gather [hbm4b:s20+s5], $0xE000, $0x38;
	[tilespmem:$0x1C080] =	vst v63  }
0x91: {  	_ =	swait.ge [sflag:s15], $0xE000  }
0x92: {  	s31 =	sshrl.u32 s19, $0x3;
	[sflag:s15] =	ssyncset.done $0x0  }
0x93: {  	s18 =	sadd.s32 $0x1, s18;
	s19 =	sadd.s32 s4, s31;
	[sflag:s15] =	ssyncadd.s32 $0xFFFF2000  }
0x94: {  	[hbm4b:s19+s5] =	stream.linear.scatter [tilespmem:s14], [sflag:$0x4], $0xE000, $0x38;
	[tilespmem:$0x1C080] =	vst v63  }
0x95: {  	p0 =	sne.s32 s18, s9;
	_ =	swait.ge [sflag:s16], $0xE000  }
.Ltmp1:
0x96: {  	[sflag:s16] =	ssyncset.done $0x0;
	(pc) =	sbr.rel @p0 .LBB2_1-.Ltmp1, $4  }
0x97: {  	[sflag:s16] =	ssyncadd.s32 $0xFFFF2000  }
0x98: {  	_ =	swait.ge [sflag:s17], $0xE000  }
0x99: {  	[sflag:s17] =	ssyncset.done $0x0  }
0x9a: {  	[sflag:s17] =	ssyncadd.s32 $0xFFFF2000  }
0x9b: {  	_ =	sfence.sel $0x180000  }
0x9c: {  	[bflag:$0x0] =	sbarrier.arrive $0xFFFF  }
0x9d: {  	p0 =	sne.s32 s0, $0x0;
	_ =	strace $0x90000047  }
0x9e: {  	s0 =	sadd.s32 @!p0 $0x100000, s2;
	[bflag:$0x2] =	sbarrier.arrive $0xFFFF  }
0x9f: {  	[sflag:s0] =	ssyncadd.tile.s32 @!p0 $0x1;
	_ =	shalt  }
.Lfunc_end2:
_tile_overlayer_lowered:
.L_overlay_start_2:
0xa0: {  	(tag) =	ssettag $0x2  }
0xa1: {  	s0 =	rddreg [dreg:$0x0];
	s2 =	stileid.u32  }
0xa2: {  	s1 =	rddreg [dreg:$0x1];
	p0 =	sne.s32 s2, $0x0  }
0xa3: {  	s3 =	rddreg [dreg:$0x2];
	[bflag:$0x3] =	sbarrier.arrive $0xFFFF;
	s2 =	simm.s32 @!p0 $0x1C05  }
0xa4: {  	[timem:s3], [sflag:s2] =	dma.local @!p0 [hbm:s0], s1  }
0xa5: {  	s0 =	simm.s32 @!p0 $0x5  }
0xa6: {  	_ =	swait.ge @!p0 [sflag:s0], s1  }
0xa7: {  	s1 =	ssub.s32 @!p0 $0x0, s1;
	[sflag:s0] =	ssyncset.done @!p0 $0x0  }
0xa8: {  	[sflag:s0] =	ssyncadd.s32 @!p0 s1  }
0xa9: {  	[bflag:$0x3] =	sbarrier.arrive $0xFFFF  }
0xaa: {  	_ =	shalt  }

</sc_bundles>
